<compile_context>
chip_gen: v7x
topology: tpu7x:2x2x1
jax: 0.10.2.dev20260603
libtpu: 0.0.44.dev20260713+nightly
codegen_flags: <defaults>
</compile_context>

<pallas_src>
import functools

import jax
import jax.numpy as jnp
from jax import lax
from jax.experimental import pallas as pl
from jax.experimental.pallas import tpu as pltpu
from jax.experimental.pallas import tpu_sc as plsc

NUM_HEADS = 16
MAX_DISTANCE = 4
NUM_BUCKETS = 2 * MAX_DISTANCE + 1
SIDE = 32
LEN = SIDE * SIDE
EXT = 2 * LEN
TAB_PAD = 128
ROWS_PER_TILE = SIDE // 2
CHUNKS = EXT // 16


def _bucket(m):
    w = ((m + SIDE // 2) % SIDE) - SIDE // 2
    return jnp.clip(w, -MAX_DISTANCE, MAX_DISTANCE) + MAX_DISTANCE


def _index_matrix():
    p = jnp.arange(EXT)
    xi = jnp.arange(SIDE)
    ypart = NUM_BUCKETS * _bucket((-(p // SIDE)) % SIDE)
    xpart = _bucket((xi[:, None] - p[None, :]) % SIDE)
    idx = (ypart[None, :] + xpart).astype(jnp.int32)
    return idx.reshape(4, 8, 16, 128).transpose(0, 2, 1, 3)


def _sc_body(tab_hbm, idx_hbm, out_hbm, tabrow_v, idxs_v, band_v, sem):
    par = lax.axis_index("c")
    h = lax.axis_index("s")

    pltpu.sync_copy(tab_hbm.at[h], tabrow_v)
    pltpu.sync_copy(idx_hbm.at[pl.ds(2 * par, 2)], idxs_v)

    def chunk_body(c, carry):
        col = c * 16
        jt = c // 8
        bo = 16 * (c % 8)
        for r in range(ROWS_PER_TILE):
            iv = idxs_v[r // 8, jt, r % 8, pl.ds(bo, 16)]
            band_v[r, pl.ds(col, 16)] = plsc.load_gather(tabrow_v, [iv])
        return carry

    lax.fori_loop(0, CHUNKS, chunk_body, 0)

    def dma_body(i, carry):
        yi = i // 16
        ipar = (i // 8) % 2
        j = i % 8
        off = pl.multiple_of(LEN - SIDE * yi + 128 * j, 32)
        src = band_v.at[pl.ds(8 * ipar, 8), pl.ds(off, 128)]
        dst = out_hbm.at[0, h, 4 * yi + 2 * par + ipar, j]
        pltpu.make_async_copy(src, dst, sem).start()
        return carry

    lax.fori_loop(0, 2 * SIDE * 8, dma_body, 0)

    def drain_body(i, carry):
        pltpu.make_async_copy(band_v.at[pl.ds(0, 8), pl.ds(0, 128)],
                              out_hbm.at[0, h, 0, 0], sem).wait()
        return carry

    lax.fori_loop(0, 2 * SIDE * 8, drain_body, 0)


@jax.jit
def _bias_sc(tab, idxmat):
    mesh = plsc.VectorSubcoreMesh(core_axis_name="c", subcore_axis_name="s")
    run = pl.kernel(
        _sc_body,
        mesh=mesh,
        out_type=jax.ShapeDtypeStruct((1, NUM_HEADS, LEN // 8, 8, 8, 128),
                                      jnp.float32),
        scratch_types=[
            pltpu.VMEM((TAB_PAD,), jnp.float32),
            pltpu.VMEM((2, 16, 8, 128), jnp.int32),
            pltpu.VMEM((ROWS_PER_TILE, EXT), jnp.float32),
            pltpu.SemaphoreType.DMA,
        ],
        compiler_params=pltpu.CompilerParams(use_tc_tiling_on_sc=False,
                                             needs_layout_passes=False),
    )
    return run(tab, idxmat)


def kernel(height, width, rel_embedding):
    tab = jnp.pad(rel_embedding.reshape(NUM_HEADS, NUM_BUCKETS * NUM_BUCKETS),
                  ((0, 0), (0, TAB_PAD - NUM_BUCKETS * NUM_BUCKETS)))
    out6 = _bias_sc(tab, _index_matrix())
    return out6.transpose(0, 1, 2, 4, 3, 5).reshape(1, NUM_HEADS, LEN, LEN)

# --- scband reference (transcript-rebuilt; emitter-appended) ---
"""Pipeline reference for scband-relative-position-bias-83614423318685 (READ-ONLY COPY).

The authoritative reference and input builder live on the scoring server;
editing this copy changes nothing except your own understanding.
"""

import jax, jax.numpy as jnp
import numpy as np

NUM_HEADS = 16
MAX_DISTANCE = 4


def setup_inputs(seed: int = 0) -> dict:
    key = jax.random.key(seed)
    num_buckets = 2 * MAX_DISTANCE + 1
    rel_embedding = jax.random.normal(key, (NUM_HEADS, num_buckets, num_buckets), dtype=jnp.float32) * 0.02
    return {"height": 32, "width": 32, "rel_embedding": rel_embedding}


def reference(height, width, rel_embedding):
    height_static = 32
    width_static = 32
    length = height_static * width_static
    ys = jnp.arange(height_static)
    xs = jnp.arange(width_static)
    yy, xx = jnp.meshgrid(ys, xs, indexing='ij')
    coords = jnp.stack([yy, xx], axis=-1).reshape(length, 2)
    coords_i = coords[:, None, :]
    coords_j = coords[None, :, :]
    dy_raw = coords_i[..., 0] - coords_j[..., 0]
    dx_raw = coords_i[..., 1] - coords_j[..., 1]
    h_half = height // 2
    w_half = width // 2
    dy = (dy_raw + h_half) % height - h_half
    dx = (dx_raw + w_half) % width - w_half
    max_dist = int(MAX_DISTANCE)
    dy = jnp.clip(dy, -max_dist, max_dist)
    dx = jnp.clip(dx, -max_dist, max_dist)
    offset = max_dist
    dy_bucket = (dy + offset).astype(jnp.int32)
    dx_bucket = (dx + offset).astype(jnp.int32)
    bias = rel_embedding[:, dy_bucket, dx_bucket]
    bias = bias[None, :, :, :]
    return bias

if __name__ == "__main__":
    import jax
    _d = setup_inputs()
    print(jax.jit(kernel)(*tuple(_d.values())))

</pallas_src>

<mosaic_0001>
#map = affine_map<(d0, d1) -> (0, 0)>
#map1 = affine_map<(d0, d1) -> (0, 0, 0, 0)>
#map2 = affine_map<(d0, d1) -> (0, 0, 0, 0, 0, 0)>
module attributes {stable_mosaic.version = 14 : i64} {
  func.func @_sc_body(%arg0: i32, %arg1: i32, %arg2: memref<16x128xf32, #tpu.memory_space<hbm>>, %arg3: memref<4x16x8x128xi32, #tpu.memory_space<hbm>>, %arg4: memref<1x16x128x8x8x128xf32, #tpu.memory_space<hbm>>, %arg5: memref<128xf32, #tpu.memory_space<vmem>>, %arg6: memref<2x16x8x128xi32, #tpu.memory_space<vmem>>, %arg7: memref<16x2048xf32, #tpu.memory_space<vmem>>, %arg8: memref<!tpu.dma_semaphore, #tpu.memory_space<semaphore_mem>>) attributes {dimension_semantics = [#tpu.dimension_semantics<core_parallel>, #tpu.dimension_semantics<subcore_parallel>], iteration_bounds = array<i64: 2, 16>, scalar_prefetch = 0 : i64, scratch_operands = 4 : i64, tpu.core_type = #tpu.core_type<sc_vector_subcore>, window_params = [{transform_indices = #map}, {transform_indices = #map1}, {transform_indices = #map2}]} {
    "tpu.region"() ({
      %run_scoped3A = tpu.sem_alloc : memref<!tpu.dma_semaphore, #tpu.memory_space<semaphore_mem>>
      %dma_start3A = arith.constant 0 : i32
      %dma_start3A_18 = tpu.memref_slice %arg2[%arg1, %dma_start3A] : memref<16x128xf32, #tpu.memory_space<hbm>> -> memref<1x128xf32, #tpu.memory_space<hbm>>
      %dma_start3A_19 = tpu.memref_squeeze %dma_start3A_18 : memref<1x128xf32, #tpu.memory_space<hbm>> -> memref<128xf32, #tpu.memory_space<hbm>>
      %dma_start3A_20 = arith.constant 0 : i32
      %dma_start3A_21 = tpu.memref_slice %arg2[%arg1, %dma_start3A_20] : memref<16x128xf32, #tpu.memory_space<hbm>> -> memref<1x128xf32, #tpu.memory_space<hbm>>
      %dma_start3A_22 = tpu.memref_squeeze %dma_start3A_21 : memref<1x128xf32, #tpu.memory_space<hbm>> -> memref<128xf32, #tpu.memory_space<hbm>>
      tpu.enqueue_dma source(%dma_start3A_22 : memref<128xf32, #tpu.memory_space<hbm>>) target(%arg5 : memref<128xf32, #tpu.memory_space<vmem>>) target_semaphore(%run_scoped3A : memref<!tpu.dma_semaphore, #tpu.memory_space<semaphore_mem>>)
      %dma_wait3A = arith.constant 0 : i32
      %dma_wait3A_23 = tpu.memref_slice %arg2[%arg1, %dma_wait3A] : memref<16x128xf32, #tpu.memory_space<hbm>> -> memref<1x128xf32, #tpu.memory_space<hbm>>
      %dma_wait3A_24 = tpu.memref_squeeze %dma_wait3A_23 : memref<1x128xf32, #tpu.memory_space<hbm>> -> memref<128xf32, #tpu.memory_space<hbm>>
      %dma_wait3A_25 = arith.constant 0 : i32
      %dma_wait3A_26 = tpu.memref_slice %arg2[%arg1, %dma_wait3A_25] : memref<16x128xf32, #tpu.memory_space<hbm>> -> memref<1x128xf32, #tpu.memory_space<hbm>>
      %dma_wait3A_27 = tpu.memref_squeeze %dma_wait3A_26 : memref<1x128xf32, #tpu.memory_space<hbm>> -> memref<128xf32, #tpu.memory_space<hbm>>
      tpu.wait_dma2 semaphore(%run_scoped3A : memref<!tpu.dma_semaphore, #tpu.memory_space<semaphore_mem>>) src(%dma_wait3A_27 : memref<128xf32, #tpu.memory_space<hbm>>) dst(%arg5 : memref<128xf32, #tpu.memory_space<vmem>>)
      tpu.yield
    }) : () -> ()
    %mul3A = arith.constant 2 : i32
    %mul3A_0 = arith.muli %mul3A, %arg0 : i32
    "tpu.region"() ({
      %run_scoped3A = tpu.sem_alloc : memref<!tpu.dma_semaphore, #tpu.memory_space<semaphore_mem>>
      %dma_start3A = arith.constant 0 : i32
      %dma_start3A_18 = arith.constant 0 : i32
      %dma_start3A_19 = arith.constant 0 : i32
      %dma_start3A_20 = tpu.memref_slice %arg3[%mul3A_0, %dma_start3A, %dma_start3A_18, %dma_start3A_19] : memref<4x16x8x128xi32, #tpu.memory_space<hbm>> -> memref<2x16x8x128xi32, #tpu.memory_space<hbm>>
      %dma_start3A_21 = arith.constant 0 : i32
      %dma_start3A_22 = arith.constant 0 : i32
      %dma_start3A_23 = arith.constant 0 : i32
      %dma_start3A_24 = tpu.memref_slice %arg3[%mul3A_0, %dma_start3A_21, %dma_start3A_22, %dma_start3A_23] : memref<4x16x8x128xi32, #tpu.memory_space<hbm>> -> memref<2x16x8x128xi32, #tpu.memory_space<hbm>>
      tpu.enqueue_dma source(%dma_start3A_24 : memref<2x16x8x128xi32, #tpu.memory_space<hbm>>) target(%arg6 : memref<2x16x8x128xi32, #tpu.memory_space<vmem>>) target_semaphore(%run_scoped3A : memref<!tpu.dma_semaphore, #tpu.memory_space<semaphore_mem>>)
      %dma_wait3A = arith.constant 0 : i32
      %dma_wait3A_25 = arith.constant 0 : i32
      %dma_wait3A_26 = arith.constant 0 : i32
      %dma_wait3A_27 = tpu.memref_slice %arg3[%mul3A_0, %dma_wait3A, %dma_wait3A_25, %dma_wait3A_26] : memref<4x16x8x128xi32, #tpu.memory_space<hbm>> -> memref<2x16x8x128xi32, #tpu.memory_space<hbm>>
      %dma_wait3A_28 = arith.constant 0 : i32
      %dma_wait3A_29 = arith.constant 0 : i32
      %dma_wait3A_30 = arith.constant 0 : i32
      %dma_wait3A_31 = tpu.memref_slice %arg3[%mul3A_0, %dma_wait3A_28, %dma_wait3A_29, %dma_wait3A_30] : memref<4x16x8x128xi32, #tpu.memory_space<hbm>> -> memref<2x16x8x128xi32, #tpu.memory_space<hbm>>
      tpu.wait_dma2 semaphore(%run_scoped3A : memref<!tpu.dma_semaphore, #tpu.memory_space<semaphore_mem>>) src(%dma_wait3A_31 : memref<2x16x8x128xi32, #tpu.memory_space<hbm>>) dst(%arg6 : memref<2x16x8x128xi32, #tpu.memory_space<vmem>>)
      tpu.yield
    }) : () -> ()
    %scan3A = arith.constant 0 : i32
    %scan3A_1 = arith.constant 0 : i32
    %scan3A_2 = arith.constant 128 : i32
    %scan3A_3 = arith.addi %scan3A_1, %scan3A_2 : i32
    %scan3A_4 = arith.constant 1 : i32
    scf.for %scan3A_18 = %scan3A_1 to %scan3A_3 step %scan3A_4  : i32 {
      %mul3A_19 = arith.constant 16 : i32
      %mul3A_20 = arith.muli %scan3A_18, %mul3A_19 : i32
      %jit3A = arith.constant 8 : i32
      %div3A = arith.divsi %scan3A_18, %jit3A : i32
      %sign3A = arith.constant 0 : i32
      %sign3A_21 = arith.cmpi sgt, %scan3A_18, %sign3A : i32
      %sign3A_22 = arith.extui %sign3A_21 : i1 to i32
      %sign3A_23 = arith.constant 0 : i32
      %sign3A_24 = arith.cmpi slt, %scan3A_18, %sign3A_23 : i32
      %sign3A_25 = arith.extui %sign3A_24 : i1 to i32
      %sign3A_26 = arith.subi %sign3A_22, %sign3A_25 : i32
      %sign3A_27 = arith.constant 0 : i32
      %sign3A_28 = arith.cmpi sgt, %jit3A, %sign3A_27 : i32
      %sign3A_29 = arith.extui %sign3A_28 : i1 to i32
      %sign3A_30 = arith.constant 0 : i32
      %sign3A_31 = arith.cmpi slt, %jit3A, %sign3A_30 : i32
      %sign3A_32 = arith.extui %sign3A_31 : i1 to i32
      %sign3A_33 = arith.subi %sign3A_29, %sign3A_32 : i32
      %ne3A = arith.cmpi ne, %sign3A_26, %sign3A_33 : i32
      %rem3A = arith.remsi %scan3A_18, %jit3A : i32
      %ne3A_34 = arith.constant 0 : i32
      %ne3A_35 = arith.cmpi ne, %rem3A, %ne3A_34 : i32
      %and3A = arith.andi %ne3A, %ne3A_35 : i1
      %sub3A = arith.constant 1 : i32
      %sub3A_36 = arith.subi %div3A, %sub3A : i32
      %select_n3A = arith.select %and3A, %sub3A_36, %div3A : i32
      %jit3A_37 = arith.constant 8 : i32
      %eq3A = arith.constant 0 : i32
      %eq3A_38 = arith.cmpi eq, %jit3A_37, %eq3A : i32
      %jit3A_39 = arith.constant 1 : i32
      %select_n3A_40 = arith.select %eq3A_38, %jit3A_39, %jit3A_37 : i32
      %rem3A_41 = arith.remsi %scan3A_18, %select_n3A_40 : i32
      %ne3A_42 = arith.constant 0 : i32
      %ne3A_43 = arith.cmpi ne, %rem3A_41, %ne3A_42 : i32
      %lt3A = arith.constant 0 : i32
      %lt3A_44 = arith.cmpi slt, %rem3A_41, %lt3A : i32
      %lt3A_45 = arith.constant 0 : i32
      %lt3A_46 = arith.cmpi slt, %select_n3A_40, %lt3A_45 : i32
      %ne3A_47 = arith.xori %lt3A_44, %lt3A_46 : i1
      %and3A_48 = arith.andi %ne3A_47, %ne3A_43 : i1
      %add3A = arith.addi %rem3A_41, %select_n3A_40 : i32
      %select_n3A_49 = arith.select %and3A_48, %add3A, %rem3A_41 : i32
      %mul3A_50 = arith.constant 16 : i32
      %mul3A_51 = arith.muli %mul3A_50, %select_n3A_49 : i32
      %get3A = arith.constant 0 : i32
      %get3A_52 = arith.constant 0 : i32
      %get3A_53 = arith.index_cast %get3A : i32 to index
      %get3A_54 = arith.index_cast %select_n3A : i32 to index
      %get3A_55 = arith.index_cast %get3A_52 : i32 to index
      %get3A_56 = arith.index_cast %mul3A_51 : i32 to index
      %get3A_57 = tpu.vector_load %arg6[%get3A_53, %get3A_54, %get3A_55, %get3A_56] {strides = array<i32>} : memref<2x16x8x128xi32, #tpu.memory_space<vmem>>, vector<16xi32>,
      %gather3A = tpu.vector_load_idx %arg5[%get3A_57] : memref<128xf32, #tpu.memory_space<vmem>>[vector<16xi32>], vector<16xf32>,
      %swap3A = arith.constant 0 : i32
      %swap3A_58 = arith.index_cast %swap3A : i32 to index
      %swap3A_59 = arith.index_cast %mul3A_20 : i32 to index
      %swap3A_60 = tpu.vector_load %arg7[%swap3A_58, %swap3A_59] {strides = array<i32>} : memref<16x2048xf32, #tpu.memory_space<vmem>>, vector<16xf32>,
      tpu.vector_store %arg7[%swap3A_58, %swap3A_59], %gather3A {strides = array<i32>} : memref<16x2048xf32, #tpu.memory_space<vmem>>, vector<16xf32>,
      %get3A_61 = arith.constant 0 : i32
      %get3A_62 = arith.constant 1 : i32
      %get3A_63 = arith.index_cast %get3A_61 : i32 to index
      %get3A_64 = arith.index_cast %select_n3A : i32 to index
      %get3A_65 = arith.index_cast %get3A_62 : i32 to index
      %get3A_66 = arith.index_cast %mul3A_51 : i32 to index
      %get3A_67 = tpu.vector_load %arg6[%get3A_63, %get3A_64, %get3A_65, %get3A_66] {strides = array<i32>} : memref<2x16x8x128xi32, #tpu.memory_space<vmem>>, vector<16xi32>,
      %gather3A_68 = tpu.vector_load_idx %arg5[%get3A_67] : memref<128xf32, #tpu.memory_space<vmem>>[vector<16xi32>], vector<16xf32>,
      %swap3A_69 = arith.constant 1 : i32
      %swap3A_70 = arith.index_cast %swap3A_69 : i32 to index
      %swap3A_71 = arith.index_cast %mul3A_20 : i32 to index
      %swap3A_72 = tpu.vector_load %arg7[%swap3A_70, %swap3A_71] {strides = array<i32>} : memref<16x2048xf32, #tpu.memory_space<vmem>>, vector<16xf32>,
      tpu.vector_store %arg7[%swap3A_70, %swap3A_71], %gather3A_68 {strides = array<i32>} : memref<16x2048xf32, #tpu.memory_space<vmem>>, vector<16xf32>,
      %get3A_73 = arith.constant 0 : i32
      %get3A_74 = arith.constant 2 : i32
      %get3A_75 = arith.index_cast %get3A_73 : i32 to index
      %get3A_76 = arith.index_cast %select_n3A : i32 to index
      %get3A_77 = arith.index_cast %get3A_74 : i32 to index
      %get3A_78 = arith.index_cast %mul3A_51 : i32 to index
      %get3A_79 = tpu.vector_load %arg6[%get3A_75, %get3A_76, %get3A_77, %get3A_78] {strides = array<i32>} : memref<2x16x8x128xi32, #tpu.memory_space<vmem>>, vector<16xi32>,
      %gather3A_80 = tpu.vector_load_idx %arg5[%get3A_79] : memref<128xf32, #tpu.memory_space<vmem>>[vector<16xi32>], vector<16xf32>,
      %swap3A_81 = arith.constant 2 : i32
      %swap3A_82 = arith.index_cast %swap3A_81 : i32 to index
      %swap3A_83 = arith.index_cast %mul3A_20 : i32 to index
      %swap3A_84 = tpu.vector_load %arg7[%swap3A_82, %swap3A_83] {strides = array<i32>} : memref<16x2048xf32, #tpu.memory_space<vmem>>, vector<16xf32>,
      tpu.vector_store %arg7[%swap3A_82, %swap3A_83], %gather3A_80 {strides = array<i32>} : memref<16x2048xf32, #tpu.memory_space<vmem>>, vector<16xf32>,
      %get3A_85 = arith.constant 0 : i32
      %get3A_86 = arith.constant 3 : i32
      %get3A_87 = arith.index_cast %get3A_85 : i32 to index
      %get3A_88 = arith.index_cast %select_n3A : i32 to index
      %get3A_89 = arith.index_cast %get3A_86 : i32 to index
      %get3A_90 = arith.index_cast %mul3A_51 : i32 to index
      %get3A_91 = tpu.vector_load %arg6[%get3A_87, %get3A_88, %get3A_89, %get3A_90] {strides = array<i32>} : memref<2x16x8x128xi32, #tpu.memory_space<vmem>>, vector<16xi32>,
      %gather3A_92 = tpu.vector_load_idx %arg5[%get3A_91] : memref<128xf32, #tpu.memory_space<vmem>>[vector<16xi32>], vector<16xf32>,
      %swap3A_93 = arith.constant 3 : i32
      %swap3A_94 = arith.index_cast %swap3A_93 : i32 to index
      %swap3A_95 = arith.index_cast %mul3A_20 : i32 to index
      %swap3A_96 = tpu.vector_load %arg7[%swap3A_94, %swap3A_95] {strides = array<i32>} : memref<16x2048xf32, #tpu.memory_space<vmem>>, vector<16xf32>,
      tpu.vector_store %arg7[%swap3A_94, %swap3A_95], %gather3A_92 {strides = array<i32>} : memref<16x2048xf32, #tpu.memory_space<vmem>>, vector<16xf32>,
      %get3A_97 = arith.constant 0 : i32
      %get3A_98 = arith.constant 4 : i32
      %get3A_99 = arith.index_cast %get3A_97 : i32 to index
      %get3A_100 = arith.index_cast %select_n3A : i32 to index
      %get3A_101 = arith.index_cast %get3A_98 : i32 to index
      %get3A_102 = arith.index_cast %mul3A_51 : i32 to index
      %get3A_103 = tpu.vector_load %arg6[%get3A_99, %get3A_100, %get3A_101, %get3A_102] {strides = array<i32>} : memref<2x16x8x128xi32, #tpu.memory_space<vmem>>, vector<16xi32>,
      %gather3A_104 = tpu.vector_load_idx %arg5[%get3A_103] : memref<128xf32, #tpu.memory_space<vmem>>[vector<16xi32>], vector<16xf32>,
      %swap3A_105 = arith.constant 4 : i32
      %swap3A_106 = arith.index_cast %swap3A_105 : i32 to index
      %swap3A_107 = arith.index_cast %mul3A_20 : i32 to index
      %swap3A_108 = tpu.vector_load %arg7[%swap3A_106, %swap3A_107] {strides = array<i32>} : memref<16x2048xf32, #tpu.memory_space<vmem>>, vector<16xf32>,
      tpu.vector_store %arg7[%swap3A_106, %swap3A_107], %gather3A_104 {strides = array<i32>} : memref<16x2048xf32, #tpu.memory_space<vmem>>, vector<16xf32>,
      %get3A_109 = arith.constant 0 : i32
      %get3A_110 = arith.constant 5 : i32
      %get3A_111 = arith.index_cast %get3A_109 : i32 to index
      %get3A_112 = arith.index_cast %select_n3A : i32 to index
      %get3A_113 = arith.index_cast %get3A_110 : i32 to index
      %get3A_114 = arith.index_cast %mul3A_51 : i32 to index
      %get3A_115 = tpu.vector_load %arg6[%get3A_111, %get3A_112, %get3A_113, %get3A_114] {strides = array<i32>} : memref<2x16x8x128xi32, #tpu.memory_space<vmem>>, vector<16xi32>,
      %gather3A_116 = tpu.vector_load_idx %arg5[%get3A_115] : memref<128xf32, #tpu.memory_space<vmem>>[vector<16xi32>], vector<16xf32>,
      %swap3A_117 = arith.constant 5 : i32
      %swap3A_118 = arith.index_cast %swap3A_117 : i32 to index
      %swap3A_119 = arith.index_cast %mul3A_20 : i32 to index
      %swap3A_120 = tpu.vector_load %arg7[%swap3A_118, %swap3A_119] {strides = array<i32>} : memref<16x2048xf32, #tpu.memory_space<vmem>>, vector<16xf32>,
      tpu.vector_store %arg7[%swap3A_118, %swap3A_119], %gather3A_116 {strides = array<i32>} : memref<16x2048xf32, #tpu.memory_space<vmem>>, vector<16xf32>,
      %get3A_121 = arith.constant 0 : i32
      %get3A_122 = arith.constant 6 : i32
      %get3A_123 = arith.index_cast %get3A_121 : i32 to index
      %get3A_124 = arith.index_cast %select_n3A : i32 to index
      %get3A_125 = arith.index_cast %get3A_122 : i32 to index
      %get3A_126 = arith.index_cast %mul3A_51 : i32 to index
      %get3A_127 = tpu.vector_load %arg6[%get3A_123, %get3A_124, %get3A_125, %get3A_126] {strides = array<i32>} : memref<2x16x8x128xi32, #tpu.memory_space<vmem>>, vector<16xi32>,
      %gather3A_128 = tpu.vector_load_idx %arg5[%get3A_127] : memref<128xf32, #tpu.memory_space<vmem>>[vector<16xi32>], vector<16xf32>,
      %swap3A_129 = arith.constant 6 : i32
      %swap3A_130 = arith.index_cast %swap3A_129 : i32 to index
      %swap3A_131 = arith.index_cast %mul3A_20 : i32 to index
      %swap3A_132 = tpu.vector_load %arg7[%swap3A_130, %swap3A_131] {strides = array<i32>} : memref<16x2048xf32, #tpu.memory_space<vmem>>, vector<16xf32>,
      tpu.vector_store %arg7[%swap3A_130, %swap3A_131], %gather3A_128 {strides = array<i32>} : memref<16x2048xf32, #tpu.memory_space<vmem>>, vector<16xf32>,
      %get3A_133 = arith.constant 0 : i32
      %get3A_134 = arith.constant 7 : i32
      %get3A_135 = arith.index_cast %get3A_133 : i32 to index
      %get3A_136 = arith.index_cast %select_n3A : i32 to index
      %get3A_137 = arith.index_cast %get3A_134 : i32 to index
      %get3A_138 = arith.index_cast %mul3A_51 : i32 to index
      %get3A_139 = tpu.vector_load %arg6[%get3A_135, %get3A_136, %get3A_137, %get3A_138] {strides = array<i32>} : memref<2x16x8x128xi32, #tpu.memory_space<vmem>>, vector<16xi32>,
      %gather3A_140 = tpu.vector_load_idx %arg5[%get3A_139] : memref<128xf32, #tpu.memory_space<vmem>>[vector<16xi32>], vector<16xf32>,
      %swap3A_141 = arith.constant 7 : i32
      %swap3A_142 = arith.index_cast %swap3A_141 : i32 to index
      %swap3A_143 = arith.index_cast %mul3A_20 : i32 to index
      %swap3A_144 = tpu.vector_load %arg7[%swap3A_142, %swap3A_143] {strides = array<i32>} : memref<16x2048xf32, #tpu.memory_space<vmem>>, vector<16xf32>,
      tpu.vector_store %arg7[%swap3A_142, %swap3A_143], %gather3A_140 {strides = array<i32>} : memref<16x2048xf32, #tpu.memory_space<vmem>>, vector<16xf32>,
      %get3A_145 = arith.constant 1 : i32
      %get3A_146 = arith.constant 0 : i32
      %get3A_147 = arith.index_cast %get3A_145 : i32 to index
      %get3A_148 = arith.index_cast %select_n3A : i32 to index
      %get3A_149 = arith.index_cast %get3A_146 : i32 to index
      %get3A_150 = arith.index_cast %mul3A_51 : i32 to index
      %get3A_151 = tpu.vector_load %arg6[%get3A_147, %get3A_148, %get3A_149, %get3A_150] {strides = array<i32>} : memref<2x16x8x128xi32, #tpu.memory_space<vmem>>, vector<16xi32>,
      %gather3A_152 = tpu.vector_load_idx %arg5[%get3A_151] : memref<128xf32, #tpu.memory_space<vmem>>[vector<16xi32>], vector<16xf32>,
      %swap3A_153 = arith.constant 8 : i32
      %swap3A_154 = arith.index_cast %swap3A_153 : i32 to index
      %swap3A_155 = arith.index_cast %mul3A_20 : i32 to index
      %swap3A_156 = tpu.vector_load %arg7[%swap3A_154, %swap3A_155] {strides = array<i32>} : memref<16x2048xf32, #tpu.memory_space<vmem>>, vector<16xf32>,
      tpu.vector_store %arg7[%swap3A_154, %swap3A_155], %gather3A_152 {strides = array<i32>} : memref<16x2048xf32, #tpu.memory_space<vmem>>, vector<16xf32>,
      %get3A_157 = arith.constant 1 : i32
      %get3A_158 = arith.constant 1 : i32
      %get3A_159 = arith.index_cast %get3A_157 : i32 to index
      %get3A_160 = arith.index_cast %select_n3A : i32 to index
      %get3A_161 = arith.index_cast %get3A_158 : i32 to index
      %get3A_162 = arith.index_cast %mul3A_51 : i32 to index
      %get3A_163 = tpu.vector_load %arg6[%get3A_159, %get3A_160, %get3A_161, %get3A_162] {strides = array<i32>} : memref<2x16x8x128xi32, #tpu.memory_space<vmem>>, vector<16xi32>,
      %gather3A_164 = tpu.vector_load_idx %arg5[%get3A_163] : memref<128xf32, #tpu.memory_space<vmem>>[vector<16xi32>], vector<16xf32>,
      %swap3A_165 = arith.constant 9 : i32
      %swap3A_166 = arith.index_cast %swap3A_165 : i32 to index
      %swap3A_167 = arith.index_cast %mul3A_20 : i32 to index
      %swap3A_168 = tpu.vector_load %arg7[%swap3A_166, %swap3A_167] {strides = array<i32>} : memref<16x2048xf32, #tpu.memory_space<vmem>>, vector<16xf32>,
      tpu.vector_store %arg7[%swap3A_166, %swap3A_167], %gather3A_164 {strides = array<i32>} : memref<16x2048xf32, #tpu.memory_space<vmem>>, vector<16xf32>,
      %get3A_169 = arith.constant 1 : i32
      %get3A_170 = arith.constant 2 : i32
      %get3A_171 = arith.index_cast %get3A_169 : i32 to index
      %get3A_172 = arith.index_cast %select_n3A : i32 to index
      %get3A_173 = arith.index_cast %get3A_170 : i32 to index
      %get3A_174 = arith.index_cast %mul3A_51 : i32 to index
      %get3A_175 = tpu.vector_load %arg6[%get3A_171, %get3A_172, %get3A_173, %get3A_174] {strides = array<i32>} : memref<2x16x8x128xi32, #tpu.memory_space<vmem>>, vector<16xi32>,
      %gather3A_176 = tpu.vector_load_idx %arg5[%get3A_175] : memref<128xf32, #tpu.memory_space<vmem>>[vector<16xi32>], vector<16xf32>,
      %swap3A_177 = arith.constant 10 : i32
      %swap3A_178 = arith.index_cast %swap3A_177 : i32 to index
      %swap3A_179 = arith.index_cast %mul3A_20 : i32 to index
      %swap3A_180 = tpu.vector_load %arg7[%swap3A_178, %swap3A_179] {strides = array<i32>} : memref<16x2048xf32, #tpu.memory_space<vmem>>, vector<16xf32>,
      tpu.vector_store %arg7[%swap3A_178, %swap3A_179], %gather3A_176 {strides = array<i32>} : memref<16x2048xf32, #tpu.memory_space<vmem>>, vector<16xf32>,
      %get3A_181 = arith.constant 1 : i32
      %get3A_182 = arith.constant 3 : i32
      %get3A_183 = arith.index_cast %get3A_181 : i32 to index
      %get3A_184 = arith.index_cast %select_n3A : i32 to index
      %get3A_185 = arith.index_cast %get3A_182 : i32 to index
      %get3A_186 = arith.index_cast %mul3A_51 : i32 to index
      %get3A_187 = tpu.vector_load %arg6[%get3A_183, %get3A_184, %get3A_185, %get3A_186] {strides = array<i32>} : memref<2x16x8x128xi32, #tpu.memory_space<vmem>>, vector<16xi32>,
      %gather3A_188 = tpu.vector_load_idx %arg5[%get3A_187] : memref<128xf32, #tpu.memory_space<vmem>>[vector<16xi32>], vector<16xf32>,
      %swap3A_189 = arith.constant 11 : i32
      %swap3A_190 = arith.index_cast %swap3A_189 : i32 to index
      %swap3A_191 = arith.index_cast %mul3A_20 : i32 to index
      %swap3A_192 = tpu.vector_load %arg7[%swap3A_190, %swap3A_191] {strides = array<i32>} : memref<16x2048xf32, #tpu.memory_space<vmem>>, vector<16xf32>,
      tpu.vector_store %arg7[%swap3A_190, %swap3A_191], %gather3A_188 {strides = array<i32>} : memref<16x2048xf32, #tpu.memory_space<vmem>>, vector<16xf32>,
      %get3A_193 = arith.constant 1 : i32
      %get3A_194 = arith.constant 4 : i32
      %get3A_195 = arith.index_cast %get3A_193 : i32 to index
      %get3A_196 = arith.index_cast %select_n3A : i32 to index
      %get3A_197 = arith.index_cast %get3A_194 : i32 to index
      %get3A_198 = arith.index_cast %mul3A_51 : i32 to index
      %get3A_199 = tpu.vector_load %arg6[%get3A_195, %get3A_196, %get3A_197, %get3A_198] {strides = array<i32>} : memref<2x16x8x128xi32, #tpu.memory_space<vmem>>, vector<16xi32>,
      %gather3A_200 = tpu.vector_load_idx %arg5[%get3A_199] : memref<128xf32, #tpu.memory_space<vmem>>[vector<16xi32>], vector<16xf32>,
      %swap3A_201 = arith.constant 12 : i32
      %swap3A_202 = arith.index_cast %swap3A_201 : i32 to index
      %swap3A_203 = arith.index_cast %mul3A_20 : i32 to index
      %swap3A_204 = tpu.vector_load %arg7[%swap3A_202, %swap3A_203] {strides = array<i32>} : memref<16x2048xf32, #tpu.memory_space<vmem>>, vector<16xf32>,
      tpu.vector_store %arg7[%swap3A_202, %swap3A_203], %gather3A_200 {strides = array<i32>} : memref<16x2048xf32, #tpu.memory_space<vmem>>, vector<16xf32>,
      %get3A_205 = arith.constant 1 : i32
      %get3A_206 = arith.constant 5 : i32
      %get3A_207 = arith.index_cast %get3A_205 : i32 to index
      %get3A_208 = arith.index_cast %select_n3A : i32 to index
      %get3A_209 = arith.index_cast %get3A_206 : i32 to index
      %get3A_210 = arith.index_cast %mul3A_51 : i32 to index
      %get3A_211 = tpu.vector_load %arg6[%get3A_207, %get3A_208, %get3A_209, %get3A_210] {strides = array<i32>} : memref<2x16x8x128xi32, #tpu.memory_space<vmem>>, vector<16xi32>,
      %gather3A_212 = tpu.vector_load_idx %arg5[%get3A_211] : memref<128xf32, #tpu.memory_space<vmem>>[vector<16xi32>], vector<16xf32>,
      %swap3A_213 = arith.constant 13 : i32
      %swap3A_214 = arith.index_cast %swap3A_213 : i32 to index
      %swap3A_215 = arith.index_cast %mul3A_20 : i32 to index
      %swap3A_216 = tpu.vector_load %arg7[%swap3A_214, %swap3A_215] {strides = array<i32>} : memref<16x2048xf32, #tpu.memory_space<vmem>>, vector<16xf32>,
      tpu.vector_store %arg7[%swap3A_214, %swap3A_215], %gather3A_212 {strides = array<i32>} : memref<16x2048xf32, #tpu.memory_space<vmem>>, vector<16xf32>,
      %get3A_217 = arith.constant 1 : i32
      %get3A_218 = arith.constant 6 : i32
      %get3A_219 = arith.index_cast %get3A_217 : i32 to index
      %get3A_220 = arith.index_cast %select_n3A : i32 to index
      %get3A_221 = arith.index_cast %get3A_218 : i32 to index
      %get3A_222 = arith.index_cast %mul3A_51 : i32 to index
      %get3A_223 = tpu.vector_load %arg6[%get3A_219, %get3A_220, %get3A_221, %get3A_222] {strides = array<i32>} : memref<2x16x8x128xi32, #tpu.memory_space<vmem>>, vector<16xi32>,
      %gather3A_224 = tpu.vector_load_idx %arg5[%get3A_223] : memref<128xf32, #tpu.memory_space<vmem>>[vector<16xi32>], vector<16xf32>,
      %swap3A_225 = arith.constant 14 : i32
      %swap3A_226 = arith.index_cast %swap3A_225 : i32 to index
      %swap3A_227 = arith.index_cast %mul3A_20 : i32 to index
      %swap3A_228 = tpu.vector_load %arg7[%swap3A_226, %swap3A_227] {strides = array<i32>} : memref<16x2048xf32, #tpu.memory_space<vmem>>, vector<16xf32>,
      tpu.vector_store %arg7[%swap3A_226, %swap3A_227], %gather3A_224 {strides = array<i32>} : memref<16x2048xf32, #tpu.memory_space<vmem>>, vector<16xf32>,
      %get3A_229 = arith.constant 1 : i32
      %get3A_230 = arith.constant 7 : i32
      %get3A_231 = arith.index_cast %get3A_229 : i32 to index
      %get3A_232 = arith.index_cast %select_n3A : i32 to index
      %get3A_233 = arith.index_cast %get3A_230 : i32 to index
      %get3A_234 = arith.index_cast %mul3A_51 : i32 to index
      %get3A_235 = tpu.vector_load %arg6[%get3A_231, %get3A_232, %get3A_233, %get3A_234] {strides = array<i32>} : memref<2x16x8x128xi32, #tpu.memory_space<vmem>>, vector<16xi32>,
      %gather3A_236 = tpu.vector_load_idx %arg5[%get3A_235] : memref<128xf32, #tpu.memory_space<vmem>>[vector<16xi32>], vector<16xf32>,
      %swap3A_237 = arith.constant 15 : i32
      %swap3A_238 = arith.index_cast %swap3A_237 : i32 to index
      %swap3A_239 = arith.index_cast %mul3A_20 : i32 to index
      %swap3A_240 = tpu.vector_load %arg7[%swap3A_238, %swap3A_239] {strides = array<i32>} : memref<16x2048xf32, #tpu.memory_space<vmem>>, vector<16xf32>,
      tpu.vector_store %arg7[%swap3A_238, %swap3A_239], %gather3A_236 {strides = array<i32>} : memref<16x2048xf32, #tpu.memory_space<vmem>>, vector<16xf32>,
    }
    %scan3A_5 = arith.constant 128 : i32
    %scan3A_6 = arith.constant 0 : i32
    %scan3A_7 = arith.constant 0 : i32
    %scan3A_8 = arith.constant 512 : i32
    %scan3A_9 = arith.addi %scan3A_7, %scan3A_8 : i32
    %scan3A_10 = arith.constant 1 : i32
    scf.for %scan3A_18 = %scan3A_7 to %scan3A_9 step %scan3A_10  : i32 {
      %jit3A = arith.constant 16 : i32
      %div3A = arith.divsi %scan3A_18, %jit3A : i32
      %sign3A = arith.constant 0 : i32
      %sign3A_19 = arith.cmpi sgt, %scan3A_18, %sign3A : i32
      %sign3A_20 = arith.extui %sign3A_19 : i1 to i32
      %sign3A_21 = arith.constant 0 : i32
      %sign3A_22 = arith.cmpi slt, %scan3A_18, %sign3A_21 : i32
      %sign3A_23 = arith.extui %sign3A_22 : i1 to i32
      %sign3A_24 = arith.subi %sign3A_20, %sign3A_23 : i32
      %sign3A_25 = arith.constant 0 : i32
      %sign3A_26 = arith.cmpi sgt, %jit3A, %sign3A_25 : i32
      %sign3A_27 = arith.extui %sign3A_26 : i1 to i32
      %sign3A_28 = arith.constant 0 : i32
      %sign3A_29 = arith.cmpi slt, %jit3A, %sign3A_28 : i32
      %sign3A_30 = arith.extui %sign3A_29 : i1 to i32
      %sign3A_31 = arith.subi %sign3A_27, %sign3A_30 : i32
      %ne3A = arith.cmpi ne, %sign3A_24, %sign3A_31 : i32
      %rem3A = arith.remsi %scan3A_18, %jit3A : i32
      %ne3A_32 = arith.constant 0 : i32
      %ne3A_33 = arith.cmpi ne, %rem3A, %ne3A_32 : i32
      %and3A = arith.andi %ne3A, %ne3A_33 : i1
      %sub3A = arith.constant 1 : i32
      %sub3A_34 = arith.subi %div3A, %sub3A : i32
      %select_n3A = arith.select %and3A, %sub3A_34, %div3A : i32
      %jit3A_35 = arith.constant 8 : i32
      %div3A_36 = arith.divsi %scan3A_18, %jit3A_35 : i32
      %sign3A_37 = arith.constant 0 : i32
      %sign3A_38 = arith.cmpi sgt, %scan3A_18, %sign3A_37 : i32
      %sign3A_39 = arith.extui %sign3A_38 : i1 to i32
      %sign3A_40 = arith.constant 0 : i32
      %sign3A_41 = arith.cmpi slt, %scan3A_18, %sign3A_40 : i32
      %sign3A_42 = arith.extui %sign3A_41 : i1 to i32
      %sign3A_43 = arith.subi %sign3A_39, %sign3A_42 : i32
      %sign3A_44 = arith.constant 0 : i32
      %sign3A_45 = arith.cmpi sgt, %jit3A_35, %sign3A_44 : i32
      %sign3A_46 = arith.extui %sign3A_45 : i1 to i32
      %sign3A_47 = arith.constant 0 : i32
      %sign3A_48 = arith.cmpi slt, %jit3A_35, %sign3A_47 : i32
      %sign3A_49 = arith.extui %sign3A_48 : i1 to i32
      %sign3A_50 = arith.subi %sign3A_46, %sign3A_49 : i32
      %ne3A_51 = arith.cmpi ne, %sign3A_43, %sign3A_50 : i32
      %rem3A_52 = arith.remsi %scan3A_18, %jit3A_35 : i32
      %ne3A_53 = arith.constant 0 : i32
      %ne3A_54 = arith.cmpi ne, %rem3A_52, %ne3A_53 : i32
      %and3A_55 = arith.andi %ne3A_51, %ne3A_54 : i1
      %sub3A_56 = arith.constant 1 : i32
      %sub3A_57 = arith.subi %div3A_36, %sub3A_56 : i32
      %select_n3A_58 = arith.select %and3A_55, %sub3A_57, %div3A_36 : i32
      %jit3A_59 = arith.constant 2 : i32
      %eq3A = arith.constant 0 : i32
      %eq3A_60 = arith.cmpi eq, %jit3A_59, %eq3A : i32
      %jit3A_61 = arith.constant 1 : i32
      %select_n3A_62 = arith.select %eq3A_60, %jit3A_61, %jit3A_59 : i32
      %rem3A_63 = arith.remsi %select_n3A_58, %select_n3A_62 : i32
      %ne3A_64 = arith.constant 0 : i32
      %ne3A_65 = arith.cmpi ne, %rem3A_63, %ne3A_64 : i32
      %lt3A = arith.constant 0 : i32
      %lt3A_66 = arith.cmpi slt, %rem3A_63, %lt3A : i32
      %lt3A_67 = arith.constant 0 : i32
      %lt3A_68 = arith.cmpi slt, %select_n3A_62, %lt3A_67 : i32
      %ne3A_69 = arith.xori %lt3A_66, %lt3A_68 : i1
      %and3A_70 = arith.andi %ne3A_69, %ne3A_65 : i1
      %add3A = arith.addi %rem3A_63, %select_n3A_62 : i32
      %select_n3A_71 = arith.select %and3A_70, %add3A, %rem3A_63 : i32
      %jit3A_72 = arith.constant 8 : i32
      %eq3A_73 = arith.constant 0 : i32
      %eq3A_74 = arith.cmpi eq, %jit3A_72, %eq3A_73 : i32
      %jit3A_75 = arith.constant 1 : i32
      %select_n3A_76 = arith.select %eq3A_74, %jit3A_75, %jit3A_72 : i32
      %rem3A_77 = arith.remsi %scan3A_18, %select_n3A_76 : i32
      %ne3A_78 = arith.constant 0 : i32
      %ne3A_79 = arith.cmpi ne, %rem3A_77, %ne3A_78 : i32
      %lt3A_80 = arith.constant 0 : i32
      %lt3A_81 = arith.cmpi slt, %rem3A_77, %lt3A_80 : i32
      %lt3A_82 = arith.constant 0 : i32
      %lt3A_83 = arith.cmpi slt, %select_n3A_76, %lt3A_82 : i32
      %ne3A_84 = arith.xori %lt3A_81, %lt3A_83 : i1
      %and3A_85 = arith.andi %ne3A_84, %ne3A_79 : i1
      %add3A_86 = arith.addi %rem3A_77, %select_n3A_76 : i32
      %select_n3A_87 = arith.select %and3A_85, %add3A_86, %rem3A_77 : i32
      %mul3A_88 = arith.constant 32 : i32
      %mul3A_89 = arith.muli %mul3A_88, %select_n3A : i32
      %sub3A_90 = arith.constant 1024 : i32
      %sub3A_91 = arith.subi %sub3A_90, %mul3A_89 : i32
      %mul3A_92 = arith.constant 128 : i32
      %mul3A_93 = arith.muli %mul3A_92, %select_n3A_87 : i32
      %add3A_94 = arith.addi %sub3A_91, %mul3A_93 : i32
      %multiple_of3A = tpu.assume_multiple %add3A_94, 32 : i32
      %mul3A_95 = arith.constant 8 : i32
      %mul3A_96 = arith.muli %mul3A_95, %select_n3A_71 : i32
      %mul3A_97 = arith.constant 4 : i32
      %mul3A_98 = arith.muli %mul3A_97, %select_n3A : i32
      %mul3A_99 = arith.constant 2 : i32
      %mul3A_100 = arith.muli %mul3A_99, %arg0 : i32
      %add3A_101 = arith.addi %mul3A_98, %mul3A_100 : i32
      %add3A_102 = arith.addi %add3A_101, %select_n3A_71 : i32
      %dma_start3A = arith.constant 0 : i32
      %dma_start3A_103 = tpu.memref_slice %arg7[%mul3A_96, %multiple_of3A] : memref<16x2048xf32, #tpu.memory_space<vmem>> -> memref<8x128xf32, #tpu.memory_space<vmem>>
      %dma_start3A_104 = arith.constant 0 : i32
      %dma_start3A_105 = arith.constant 0 : i32
      %dma_start3A_106 = tpu.memref_slice %arg4[%dma_start3A, %arg1, %add3A_102, %select_n3A_87, %dma_start3A_104, %dma_start3A_105] : memref<1x16x128x8x8x128xf32, #tpu.memory_space<hbm>> -> memref<1x1x1x1x8x128xf32, #tpu.memory_space<hbm>>
      %dma_start3A_107 = tpu.memref_squeeze %dma_start3A_106 : memref<1x1x1x1x8x128xf32, #tpu.memory_space<hbm>> -> memref<8x128xf32, #tpu.memory_space<hbm>>
      %dma_start3A_108 = arith.constant 0 : i32
      %dma_start3A_109 = arith.constant 0 : i32
      %dma_start3A_110 = tpu.memref_slice %arg4[%dma_start3A, %arg1, %add3A_102, %select_n3A_87, %dma_start3A_108, %dma_start3A_109] : memref<1x16x128x8x8x128xf32, #tpu.memory_space<hbm>> -> memref<1x1x1x1x8x128xf32, #tpu.memory_space<hbm>>
      %dma_start3A_111 = tpu.memref_squeeze %dma_start3A_110 : memref<1x1x1x1x8x128xf32, #tpu.memory_space<hbm>> -> memref<8x128xf32, #tpu.memory_space<hbm>>
      %dma_start3A_112 = tpu.memref_slice %arg7[%mul3A_96, %multiple_of3A] : memref<16x2048xf32, #tpu.memory_space<vmem>> -> memref<8x128xf32, #tpu.memory_space<vmem>>
      tpu.enqueue_dma source(%dma_start3A_112 : memref<8x128xf32, #tpu.memory_space<vmem>>) target(%dma_start3A_111 : memref<8x128xf32, #tpu.memory_space<hbm>>) target_semaphore(%arg8 : memref<!tpu.dma_semaphore, #tpu.memory_space<semaphore_mem>>)
    }
    %scan3A_11 = arith.constant 512 : i32
    %scan3A_12 = arith.constant 0 : i32
    %scan3A_13 = arith.constant 0 : i32
    %scan3A_14 = arith.constant 512 : i32
    %scan3A_15 = arith.addi %scan3A_13, %scan3A_14 : i32
    %scan3A_16 = arith.constant 1 : i32
    scf.for %scan3A_18 = %scan3A_13 to %scan3A_15 step %scan3A_16  : i32 {
      %dma_wait3A = arith.constant 0 : i32
      %dma_wait3A_19 = arith.constant 0 : i32
      %dma_wait3A_20 = arith.constant 0 : i32
      %dma_wait3A_21 = arith.constant 0 : i32
      %dma_wait3A_22 = arith.constant 0 : i32
      %dma_wait3A_23 = tpu.memref_slice %arg7[%dma_wait3A_21, %dma_wait3A_22] : memref<16x2048xf32, #tpu.memory_space<vmem>> -> memref<8x128xf32, #tpu.memory_space<vmem>>
      %dma_wait3A_24 = arith.constant 0 : i32
      %dma_wait3A_25 = arith.constant 0 : i32
      %dma_wait3A_26 = tpu.memref_slice %arg4[%dma_wait3A, %arg1, %dma_wait3A_19, %dma_wait3A_20, %dma_wait3A_24, %dma_wait3A_25] : memref<1x16x128x8x8x128xf32, #tpu.memory_space<hbm>> -> memref<1x1x1x1x8x128xf32, #tpu.memory_space<hbm>>
      %dma_wait3A_27 = tpu.memref_squeeze %dma_wait3A_26 : memref<1x1x1x1x8x128xf32, #tpu.memory_space<hbm>> -> memref<8x128xf32, #tpu.memory_space<hbm>>
      %dma_wait3A_28 = arith.constant 0 : i32
      %dma_wait3A_29 = arith.constant 0 : i32
      %dma_wait3A_30 = tpu.memref_slice %arg4[%dma_wait3A, %arg1, %dma_wait3A_19, %dma_wait3A_20, %dma_wait3A_28, %dma_wait3A_29] : memref<1x16x128x8x8x128xf32, #tpu.memory_space<hbm>> -> memref<1x1x1x1x8x128xf32, #tpu.memory_space<hbm>>
      %dma_wait3A_31 = tpu.memref_squeeze %dma_wait3A_30 : memref<1x1x1x1x8x128xf32, #tpu.memory_space<hbm>> -> memref<8x128xf32, #tpu.memory_space<hbm>>
      %dma_wait3A_32 = arith.constant 0 : i32
      %dma_wait3A_33 = arith.constant 0 : i32
      %dma_wait3A_34 = tpu.memref_slice %arg7[%dma_wait3A_32, %dma_wait3A_33] : memref<16x2048xf32, #tpu.memory_space<vmem>> -> memref<8x128xf32, #tpu.memory_space<vmem>>
      tpu.wait_dma2 semaphore(%arg8 : memref<!tpu.dma_semaphore, #tpu.memory_space<semaphore_mem>>) src(%dma_wait3A_34 : memref<8x128xf32, #tpu.memory_space<vmem>>) dst(%dma_wait3A_31 : memref<8x128xf32, #tpu.memory_space<hbm>>)
    }
    %scan3A_17 = arith.constant 512 : i32
    return
  }
}

</mosaic_0001>

<sc_bundles>
// kernel: _bias_sc.3.cloned.1.call-start
scs
__scs_entry_jumppad:
0x0: {  	(pc) =	sbr.rel $0x88, $3  }
0x1: {  	(tag) =	ssettag $0x0;
	lr =	simm.s32 $0x1  }
0x2: {  	[smem:$0x3F9F] =	sst lr;
	_ =	strace $0xD0000000  }
0x3: {  	_ = 	snop  }
0x4: {  	_ = 	snop  }
0x5: {  	_ = 	snop  }
0x6: {  	_ = 	snop  }
0x7: {  	_ = 	snop  }
__scs_overlays_trampoline_lowered:
0x8: {  	[smem:$0x3FAE] =	sst s0  }
0x9: {  	[smem:$0x3FAF] =	sst s1  }
0xa: {  	[smem:$0x3FB0] =	sst s2  }
0xb: {  	[smem:$0x3FB1] =	sst s3  }
0xc: {  	[smem:$0x3FB2] =	sst s4  }
0xd: {  	[smem:$0x3FB3] =	sst s5  }
0xe: {  	[smem:$0x3FB4] =	sst s6  }
0xf: {  	[smem:$0x3FB5] =	sst s7  }
0x10: {  	[smem:$0x3FB6] =	sst s8  }
0x11: {  	[smem:$0x3FB7] =	sst s9;
	s0 =	simm.s32 @!p0 $0x0  }
0x12: {  	s1 =	sld [smem:$0x3F9D];
	s0 =	simm.s32 @p0 $0x1  }
0x13: {  	[smem:$0x3FB8] =	sst s0;
	s0 =	simm.s32 @!p1 $0x0  }
0x14: {  	s2 =	sld [smem:$0x3F9C];
	s0 =	simm.s32 @p1 $0x1  }
0x15: {  	[smem:$0x3FB9] =	sst s0;
	s0 =	simm.s32 @!p2 $0x0  }
0x16: {  	s3 =	sld [smem:$0x3FDB];
	s0 =	simm.s32 @p2 $0x1  }
0x17: {  	s4 =	simm.s32 $0x1BF5;
	[smem:$0x3FBB] =	sst s0  }
0x18: {  	s0 =	sld [smem:$0x3F9E];
	_ =	swait.ge [sflag:s4], $0x0  }
0x19: {  	s7 =	sld [smem:$0x3F9F]  }
0x1a: {  	s8 =	sadd.s32 $0xFFFFE003, lr  }
0x1b: {  	s9 =	sadd.s32 $0xFFFFFEF7, lr;
	s5 =	simm.s32 $0xFFFFFFFF;
	p2 =	slt.u32 s8, $0xFFFFF086  }
0x1c: {  	p1 =	slt.u32 s9, $0xF7A;
	s5 =	simm.s32 @!p2 $0x0  }
0x1d: {  	s5 =	simm.s32 @p1 $0x1;
	p0 =	seq.s32 s7, s2  }
0x1e: {  	s7 =	smul.u32 @!p0 $0xF7A, s2;
	p2 =	seq.s32 @!p0 s5, $0x0  }
0x1f: {  	s9 =	smul.u32 $0xF7A, s1;
	s8 =	simm.s32 @!p0 $0x1BF5;
	p2 =	por !p2, p0  }
0x20: {  	[sflag:s8] =	ssyncset.s32 @!p0 $0xFFFFF086;
	s6 =	sadd.s32 @!p0 s3, s7;
	s7 =	simm.s32 @!p0 $0x108  }
0x21: {  	s3 =	sadd.s32 s3, s9;
	s6 =	sadd.s32 @!p0 $0x88, s6;
	s7 =	simm.s32 @p2 $0x1082  }
0x22: {  	[simem:s7], [sflag:s8] =	dma.local @!p0 [hbm:s6], $0xF7A  }
0x23: {  	s9 =	sor.u32 $0xD0000000, s2;
	s6 =	simm.s32 $0x108;
	_ =	swait.ge @!p0 [sflag:s8], $0x0  }
0x24: {  	s3 =	sadd.s32 $0x88, s3;
	s6 =	simm.s32 @!p1 $0x1082;
	[sflag:s4] =	ssyncset.s32 $0xFFFFF086  }
0x25: {  	[simem:s6], [sflag:s4] =	dma.local [hbm:s3], $0xF7A  }
0x26: {  	[smem:$0x3F9F] =	sst s1;
	(tag) =	ssettag s2;
	_ =	strace s9  }
0x27: {  	s1 =	sld [smem:$0x3FAF]  }
0x28: {  	s2 =	sld [smem:$0x3FB0]  }
0x29: {  	s4 =	sld [smem:$0x3FB2]  }
0x2a: {  	p0 =	seq.s32 s5, $0x0;
	s5 =	sld [smem:$0x3FB3]  }
0x2b: {  	s6 =	sld [smem:$0x3FB4]  }
0x2c: {  	s7 =	sld [smem:$0x3FB5]  }
0x2d: {  	s3 =	simm.s32 $0x108;
	s8 =	sld [smem:$0x3FB6]  }
0x2e: {  	s3 =	simm.s32 @!p0 $0x1082;
	s9 =	sld [smem:$0x3FB7]  }
0x2f: {  	lr =	sadd.s32 s0, s3;
	s0 =	sld [smem:$0x3FAE]  }
0x30: {  	s3 =	sld [smem:$0x3FB1]  }
0x31: {  	[smem:$0x3FBA] =	sst s10  }
0x32: {  	s10 =	sld [smem:$0x3FB8];
	_ =	sdelay $0x3  }
0x33: {  	p0 =	seq.s32 s10, $0x1;
	s10 =	sld [smem:$0x3FBA];
	_ =	sdelay $0x3  }
0x34: {  	[smem:$0x3FBA] =	sst s10  }
0x35: {  	s10 =	sld [smem:$0x3FB9];
	_ =	sdelay $0x3  }
0x36: {  	p1 =	seq.s32 s10, $0x1;
	s10 =	sld [smem:$0x3FBA];
	_ =	sdelay $0x3  }
0x37: {  	[smem:$0x3FBA] =	sst s10  }
0x38: {  	s10 =	sld [smem:$0x3FBB]  }
0x39: {  	_ = 	snop;
	(pc) =	sbr.ind lr, $3  }
0x3a: {  	_ = 	snop  }
0x3b: {  	_ = 	snop  }
0x3c: {  	p2 =	seq.s32 s10, $0x1;
	s10 =	sld [smem:$0x3FBA]  }
0x3d: {  	_ =	shalt  }
0x3e: {  	_ =	shalt  }
0x3f: {  	_ =	shalt  }
0x40: {  	_ =	shalt  }
0x41: {  	_ =	shalt  }
0x42: {  	_ =	shalt  }
0x43: {  	_ =	shalt  }
0x44: {  	_ =	shalt  }
0x45: {  	_ =	shalt  }
0x46: {  	_ =	shalt  }
0x47: {  	_ =	shalt  }
0x48: {  	_ =	shalt  }
0x49: {  	_ =	shalt  }
0x4a: {  	_ =	shalt  }
0x4b: {  	_ =	shalt  }
0x4c: {  	_ =	shalt  }
0x4d: {  	_ =	shalt  }
0x4e: {  	_ =	shalt  }
0x4f: {  	_ =	shalt  }
0x50: {  	_ =	shalt  }
0x51: {  	_ =	shalt  }
0x52: {  	_ =	shalt  }
0x53: {  	_ =	shalt  }
0x54: {  	_ =	shalt  }
0x55: {  	_ =	shalt  }
0x56: {  	_ =	shalt  }
0x57: {  	_ =	shalt  }
0x58: {  	_ =	shalt  }
0x59: {  	_ =	shalt  }
0x5a: {  	_ =	shalt  }
0x5b: {  	_ =	shalt  }
0x5c: {  	_ =	shalt  }
0x5d: {  	_ =	shalt  }
0x5e: {  	_ =	shalt  }
0x5f: {  	_ =	shalt  }
0x60: {  	_ =	shalt  }
0x61: {  	_ =	shalt  }
0x62: {  	_ =	shalt  }
0x63: {  	_ =	shalt  }
0x64: {  	_ =	shalt  }
0x65: {  	_ =	shalt  }
0x66: {  	_ =	shalt  }
0x67: {  	_ =	shalt  }
0x68: {  	_ =	shalt  }
0x69: {  	_ =	shalt  }
0x6a: {  	_ =	shalt  }
0x6b: {  	_ =	shalt  }
0x6c: {  	_ =	shalt  }
0x6d: {  	_ =	shalt  }
0x6e: {  	_ =	shalt  }
0x6f: {  	_ =	shalt  }
0x70: {  	_ =	shalt  }
0x71: {  	_ =	shalt  }
0x72: {  	_ =	shalt  }
0x73: {  	_ =	shalt  }
0x74: {  	_ =	shalt  }
0x75: {  	_ =	shalt  }
0x76: {  	_ =	shalt  }
0x77: {  	_ =	shalt  }
0x78: {  	_ =	shalt  }
0x79: {  	_ =	shalt  }
0x7a: {  	_ =	shalt  }
0x7b: {  	_ =	shalt  }
0x7c: {  	_ =	shalt  }
0x7d: {  	_ =	shalt  }
0x7e: {  	_ =	shalt  }
0x7f: {  	_ =	shalt  }
0x80: {  	_ =	shalt  }
0x81: {  	_ =	shalt  }
0x82: {  	_ =	shalt  }
0x83: {  	_ =	shalt  }
0x84: {  	_ =	shalt  }
0x85: {  	_ =	shalt  }
0x86: {  	_ =	shalt  }
0x87: {  	_ =	shalt  }
.Lfunc_end0:
.L_simem_size_0:
called_computation_lowered:
.L_overlay_start_0:
0x88: {  	s2 =	sld [smem:$0x3FD9]  }
0x89: {  	s3 =	sld [smem:$0x3FFE];
	_ =	sdelay $0x1  }
0x8a: {  	s1 =	srdreg.scid  }
0x8b: {  	s0 =	sand.u32 $0x1, s1  }
0x8c: {  	s18 =	sshll.u32 s0, $0xA;
	s2 =	sadd.s32 s3, s2  }
0x8d: {  	s2 =	sadd.s32 s2, s18  }
0x8e: {  	[smem:$0x3FC6] =	sst s2  }
0x8f: {  	_ = 	snop  }
0x90: {  	s2 =	sld [smem:$0x3FC9]  }
0x91: {  	s19 =	sld [smem:$0x3FC8]  }
0x92: {  	s4 =	sld [smem:$0x3FD0];
	(tm) =	ssettm $0x1  }
0x93: {  	s5 =	sld [smem:$0x3FFB];
	_ =	sdelay $0x3  }
0x94: {  	_ =	strace s5  }
0x95: {  	s5 =	sld [smem:$0x3FFC];
	_ =	sdelay $0x3  }
0x96: {  	_ =	strace s5  }
0x97: {  	s5 =	sld [smem:$0x3FFD];
	_ =	sdelay $0x3  }
0x98: {  	_ =	strace s5  }
0x99: {  	_ =	strace $0x8FFFFFFF  }
0x9a: {  	s20 =	sld [smem:$0x3FDB];
	_ =	sdelay $0x1  }
0x9b: {  	s6 =	simm.s32 $_scs_section_size  }
0x9c: {  	s7 =	simm.s32 $_size__tile_overlayer_lowered;
	s8 =	simm.s32 $_tile_overlayer_lowered  }
0x9d: {  	s23 =	simm.s32 $0x1BFF;
	s22 =	sshll.u32 s8, $0x1;
	s5 =	sadd.s32 s6, s20  }
0x9e: {  	s9 =	simm.s32 $0x0;
	s21 =	sshll.u32 s7, $0x1;
	s7 =	sadd.s32 s22, s5  }
0x9f: {  	[timem:s9], [sflag:s23] =	dma.local [hbm:s7], s21  }
0xa0: {  	_ =	swait.ge [sflag:s23], s21  }
0xa1: {  	s6 =	ssub.s32 $0x0, s21;
	[sflag:s23] =	ssyncset.done $0x0  }
0xa2: {  	[sflag:s23] =	ssyncadd.s32 s6;
	_ =	sdelay $0x1  }
0xa3: {  	s24 =	simm.s32 $0x1B8B  }
0xa4: {  	_ =	swait.ge [sflag:s24], $0x1  }
0xa5: {  	[sflag:s24] =	ssyncset.done $0x0  }
0xa6: {  	s25 =	simm.s32 $0x1B8E;
	[sflag:s24] =	ssyncadd.s32 $0xFFFFFFFF  }
0xa7: {  	s26 =	simm.s32 $execute0_lowered;
	[smem:$0x3FD2] =	sst s25  }
0xa8: {  	s6 =	sshll.u32 s26, $0x1;
	_ =	strace $0x80000046;
	[dreg:$0x1] =	wrdreg $0xFFFFFFFF  }
0xa9: {  	s28 =	simm.s32 $_size_execute0_lowered;
	s5 =	sadd.s32 s5, s6;
	[dreg:$0x0] =	wrdreg $0x0  }
0xaa: {  	s6 =	sshll.u32 s28, $0x1;
	[dreg:$0x2] =	wrdreg s5  }
0xab: {  	[dreg:$0x3] =	wrdreg s6  }
0xac: {  	[dreg:$0x4] =	wrdreg $0xC0  }
0xad: {  	_ =	task [dreg:s9], $0x5FFFF  }
0xae: {  	[dreg:$0x1] =	wrdreg $0xFFFFFFFF  }
0xaf: {  	[dreg:$0x0] =	wrdreg $0x60  }
0xb0: {  	[dreg:$0x2] =	wrdreg s2  }
0xb1: {  	[dreg:$0x3] =	wrdreg s19  }
0xb2: {  	[dreg:$0x4] =	wrdreg s4  }
0xb3: {  	[dreg:$0x5] =	wrdreg $0x9  }
0xb4: {  	_ =	task.clear_ibuf [dreg:s9], $0x6FFFF;
	_ =	strace $0x90000046  }
0xb5: {  	s29 =	simm.s32 $0x9;
	_ =	strace $0x80000048  }
0xb6: {  	_ =	swait.ge [sflag:s29], $0x1  }
0xb7: {  	[sflag:s29] =	ssyncadd.s32 $0xFFFFFFFF  }
0xb8: {  	_ =	strace $0x90000048  }
0xb9: {  	_ =	sfence  }
0xba: {  	s30 =	sld [smem:$0x0];
	_ =	sdelay $0x2  }
0xbb: {  	s31 =	sshll.u32 s1, $0xD;
	s1 =	sshrl.u32 s1, $0x2  }
0xbc: {  	s3 =	sand.u32 $0x4000, s31;
	s1 =	sadd.s32 s1, s30  }
0xbd: {  	s0 =	sor.u32 s3, s0;
	s1 =	sshll.u32 s1, $0x11  }
0xbe: {  	s0 =	sor.u32 s1, s0  }
0xbf: {  	s0 =	sadd.s32 $0x8F2B, s0  }
0xc0: {  	[sflag:s0] =	ssyncadd.remote.s32 $0x1  }
0xc1: {  	_ =	sfence.sel $0xFFFF  }
0xc2: {  	[dreg:$0x0] =	wrdreg $0xFFFFFFFF;
	(pc) =	sbr.abs _section_cstart, $3  }
0xc3: {  	[dreg:$0x1] =	wrdreg $0xFFFFFFFF  }
0xc4: {  	_ =	task.clear_ibuf [dreg:s9], $0x2FFFF;
	_ =	strace $0x9FFFFFFF  }
0xc5: {  	(tm) =	ssettm $0x7FFFFFFF  }
tec
execute0_lowered:
.L_overlay_start_1:
0x0: {  	(tag) =	ssettag $0x1  }
0x1: {  	s3 =	rddreg [dreg:$0x0]  }
0x2: {  	s5 =	rddreg [dreg:$0x1]  }
0x3: {  	s6 =	rddreg [dreg:$0x2];
	s1 =	srdreg.scid  }
0x4: {  	s0 =	rddreg [dreg:$0x3];
	s2 =	simm.s32 $0x0;
	s10 =	simm.s32 $0x1  }
0x5: {  	s11 =	simm.s32 $0x0;
	s4 =	sand.u32 $0x1, s1;
	[smem:$0x7FF] =	sst s2  }
0x6: {  	s1 =	stileid.u32;
	s7 =	ssub.s32 $0x2, s4;
	_ =	strace $0x80000047  }
0x7: {  	s9 =	sshll.u32 s1, $0x4;
	s30 =	sshll.u32 s4, $0xC;
	s4 =	sshll.u32 s4, $0x1  }
0x8: {  	s31 =	sshll.u32 s1, $0x11;
	s8 =	sshrl.u32 s7, $0x1;
	s3 =	sadd.s32 s3, s9  }
0x9: {  	s5 =	sadd.s32 s5, s30;
	s6 =	sadd.s32 s6, s31;
	s7 =	ssub.s32 s7, s8  }
0xa: {  	s9 =	simm.s32 $0x80;
	s8 =	simm.s32 $0x2;
	s7 =	smax.u32 s7, $0x1  }
.LBB2_1:
0xb: {  	[tilespmem:s2], [sflag:$0x2] =	stream.linear.gather [hbm4b:s3+s2], $0x80, $0x38;
	[tilespmem:$0x10080] =	vst v63  }
0xc: {  	_ =	swait.ge [sflag:s8], $0x80  }
0xd: {  	[sflag:s8] =	ssyncset.done $0x0  }
0xe: {  	[sflag:s8] =	ssyncadd.s32 $0xFFFFFF80  }
0xf: {  	[tilespmem:s9], [sflag:$0x2] =	stream.linear.gather [hbm4b:s5+s2], $0x8000, $0x38;
	[tilespmem:$0x10080] =	vst v63  }
0x10: {  	_ =	swait.ge [sflag:s8], $0x8000  }
0x11: {  	s12 =	simm.s32 $0x0;
	[sflag:s8] =	ssyncset.done $0x0  }
0x12: {  	s13 =	simm.s32 $0x0;
	s14 =	simm.s32 $0x0;
	[sflag:s8] =	ssyncadd.s32 $0xFFFF8000  }
.LBB2_2:
0x13: {  	s15 =	sand.u32 $0x70, s12;
	s16 =	sand.u32 $0x3C00, s13  }
0x14: {  	s16 =	sor.u32 s15, s16  }
0x15: {  	v0 =	vld [tilespmem:s16+$0x80];
	_ =	sdelay $0x6  }
0x16: {  	s15 =	simm.s32 $0x0  }
0x17: {  	v0 =	vld.idx.msk [tilespmem:v0+s15+$0x0], $0xffff;
	_ =	sdelay $0x3  }
0x18: {  	s17 =	sshra.s32 s14, $0x2  }
0x19: {  	[tilespmem:s17+$0x8080] =	vst v0  }
0x1a: {  	v0 =	vld [tilespmem:s16+$0x100];
	_ =	sdelay $0x7  }
0x1b: {  	v0 =	vld.idx.msk [tilespmem:v0+s15+$0x0], $0xffff;
	_ =	sdelay $0x4  }
0x1c: {  	[tilespmem:s17+$0x8880] =	vst v0  }
0x1d: {  	v0 =	vld [tilespmem:s16+$0x180];
	_ =	sdelay $0x7  }
0x1e: {  	v0 =	vld.idx.msk [tilespmem:v0+s15+$0x0], $0xffff;
	_ =	sdelay $0x4  }
0x1f: {  	[tilespmem:s17+$0x9080] =	vst v0  }
0x20: {  	v0 =	vld [tilespmem:s16+$0x200];
	_ =	sdelay $0x7  }
0x21: {  	v0 =	vld.idx.msk [tilespmem:v0+s15+$0x0], $0xffff;
	_ =	sdelay $0x4  }
0x22: {  	[tilespmem:s17+$0x9880] =	vst v0  }
0x23: {  	v0 =	vld [tilespmem:s16+$0x280];
	_ =	sdelay $0x7  }
0x24: {  	v0 =	vld.idx.msk [tilespmem:v0+s15+$0x0], $0xffff;
	_ =	sdelay $0x4  }
0x25: {  	[tilespmem:s17+$0xA080] =	vst v0  }
0x26: {  	v0 =	vld [tilespmem:s16+$0x300];
	_ =	sdelay $0x7  }
0x27: {  	v0 =	vld.idx.msk [tilespmem:v0+s15+$0x0], $0xffff;
	_ =	sdelay $0x4  }
0x28: {  	[tilespmem:s17+$0xA880] =	vst v0  }
0x29: {  	v0 =	vld [tilespmem:s16+$0x380];
	_ =	sdelay $0x7  }
0x2a: {  	v0 =	vld.idx.msk [tilespmem:v0+s15+$0x0], $0xffff;
	_ =	sdelay $0x4  }
0x2b: {  	[tilespmem:s17+$0xB080] =	vst v0  }
0x2c: {  	v0 =	vld [tilespmem:s16+$0x400];
	_ =	sdelay $0x7  }
0x2d: {  	v0 =	vld.idx.msk [tilespmem:v0+s15+$0x0], $0xffff;
	_ =	sdelay $0x4  }
0x2e: {  	[tilespmem:s17+$0xB880] =	vst v0  }
0x2f: {  	v0 =	vld [tilespmem:s16+$0x4080];
	_ =	sdelay $0x7  }
0x30: {  	v0 =	vld.idx.msk [tilespmem:v0+s15+$0x0], $0xffff;
	_ =	sdelay $0x4  }
0x31: {  	[tilespmem:s17+$0xC080] =	vst v0  }
0x32: {  	v0 =	vld [tilespmem:s16+$0x4100];
	_ =	sdelay $0x7  }
0x33: {  	v0 =	vld.idx.msk [tilespmem:v0+s15+$0x0], $0xffff;
	_ =	sdelay $0x4  }
0x34: {  	[tilespmem:s17+$0xC880] =	vst v0  }
0x35: {  	v0 =	vld [tilespmem:s16+$0x4180];
	_ =	sdelay $0x7  }
0x36: {  	v0 =	vld.idx.msk [tilespmem:v0+s15+$0x0], $0xffff;
	_ =	sdelay $0x4  }
0x37: {  	[tilespmem:s17+$0xD080] =	vst v0  }
0x38: {  	v0 =	vld [tilespmem:s16+$0x4200];
	_ =	sdelay $0x7  }
0x39: {  	v0 =	vld.idx.msk [tilespmem:v0+s15+$0x0], $0xffff;
	_ =	sdelay $0x4  }
0x3a: {  	[tilespmem:s17+$0xD880] =	vst v0  }
0x3b: {  	v0 =	vld [tilespmem:s16+$0x4280];
	_ =	sdelay $0x7  }
0x3c: {  	v0 =	vld.idx.msk [tilespmem:v0+s15+$0x0], $0xffff;
	_ =	sdelay $0x4  }
0x3d: {  	[tilespmem:s17+$0xE080] =	vst v0  }
0x3e: {  	v0 =	vld [tilespmem:s16+$0x4300];
	_ =	sdelay $0x7  }
0x3f: {  	v0 =	vld.idx.msk [tilespmem:v0+s15+$0x0], $0xffff;
	_ =	sdelay $0x4  }
0x40: {  	[tilespmem:s17+$0xE880] =	vst v0  }
0x41: {  	v0 =	vld [tilespmem:s16+$0x4380];
	_ =	sdelay $0x7  }
0x42: {  	v0 =	vld.idx.msk [tilespmem:v0+s15+$0x0], $0xffff;
	_ =	sdelay $0x4  }
0x43: {  	[tilespmem:s17+$0xF080] =	vst v0  }
0x44: {  	v0 =	vld [tilespmem:s16+$0x4400];
	_ =	sdelay $0x7  }
0x45: {  	p0 =	sne.s32 s14, $0x1FC0;
	v0 =	vld.idx.msk [tilespmem:v0+s15+$0x0], $0xffff  }
.Ltmp0:
0x46: {  	_ = 	snop;
	(pc) =	sbr.rel @p0 .LBB2_2-.Ltmp0, $2  }
0x47: {  	_ =	sdelay $0x2  }
0x48: {  	s13 =	sadd.s32 $0x80, s13;
	s12 =	sadd.s32 $0x10, s12;
	s14 =	sadd.s32 $0x40, s14;
	[tilespmem:s17+$0xF880] =	vst v0  }
0x49: {  	s12 =	sand.u32 $0x380, s15  }
0x4a: {  	s13 =	sand.u32 $0x8, s15;
	s14 =	simm.s32 $0x0;
	s18 =	simm.s32 $0x0  }
0x4b: {  	s25 =	simm.s32 $0x80;
	s14 =	sor.u32 s4, s14;
	s16 =	sshrl.u32 s13, $0x3  }
0x4c: {  	s13 =	sshll.u32 s13, $0xB;
	s15 =	ssub.s32 s12, s18;
	s14 =	sor.u32 s16, s14  }
0x4d: {  	s12 =	sadd.s32 s12, s6;
	s16 =	sadd.s32 s15, s13;
	s19 =	sshll.u32 s14, $0xA  }
0x4e: {  	s18 =	simm.s32 $0x1;
	s20 =	sadd.s32 $0x8480, s16;
	s12 =	sadd.s32 s19, s12  }
0x4f: {  	[hbm4b:s12+s2] =	stream.linear.scatter [tilespmem:s20], [sflag:$0x1], $0x80, $0x38;
	[tilespmem:$0x10080] =	vst v63  }
0x50: {  	s13 =	sand.u32 $0x380, s25;
	s21 =	sadd.s32 $0x8C80, s16;
	s22 =	sadd.s32 $0x10, s12  }
0x51: {  	[hbm4b:s22+s2] =	stream.linear.scatter [tilespmem:s21], [sflag:$0x1], $0x80, $0x38;
	[tilespmem:$0x10080] =	vst v63  }
0x52: {  	s15 =	simm.s32 $0x100;
	s23 =	sadd.s32 $0x9480, s16;
	s24 =	sadd.s32 $0x20, s12  }
0x53: {  	[hbm4b:s24+s2] =	stream.linear.scatter [tilespmem:s23], [sflag:$0x1], $0x80, $0x38;
	[tilespmem:$0x10080] =	vst v63  }
0x54: {  	s26 =	sadd.s32 $0x9C80, s16;
	s29 =	sadd.s32 $0xA480, s16;
	s28 =	sadd.s32 $0x30, s12  }
0x55: {  	[hbm4b:s28+s2] =	stream.linear.scatter [tilespmem:s26], [sflag:$0x1], $0x80, $0x38;
	[tilespmem:$0x10080] =	vst v63  }
0x56: {  	s14 =	simm.s32 $0x2;
	s31 =	sadd.s32 $0xAC80, s16;
	s30 =	sadd.s32 $0x40, s12  }
0x57: {  	[hbm4b:s30+s2] =	stream.linear.scatter [tilespmem:s29], [sflag:$0x1], $0x80, $0x38;
	[tilespmem:$0x10080] =	vst v63  }
0x58: {  	s19 =	sand.u32 $0x8, s18;
	s17 =	sadd.s32 $0x50, s12;
	s20 =	simm.s32 $0x0  }
0x59: {  	[hbm4b:s17+s2] =	stream.linear.scatter [tilespmem:s31], [sflag:$0x1], $0x80, $0x38;
	[tilespmem:$0x10080] =	vst v63  }
0x5a: {  	s18 =	sadd.s32 $0x60, s12;
	s17 =	sadd.s32 $0xB480, s16;
	s16 =	sadd.s32 $0xBC80, s16  }
.LBB2_4:
0x5b: {  	s21 =	sshll.u32 s20, $0x2  }
0x5c: {  	s20 =	sshll.u32 s20, $0x5;
	s22 =	sshll.u32 s19, $0xB;
	s23 =	smov.u32 s14  }
0x5d: {  	s19 =	sshrl.u32 s19, $0x3;
	s21 =	sor.u32 s4, s21;
	s20 =	ssub.s32 s13, s20  }
0x5e: {  	s12 =	sadd.s32 $0x70, s12;
	s19 =	sor.u32 s19, s21;
	s20 =	sadd.s32 s20, s22  }
0x5f: {  	[hbm4b:s18+s2] =	stream.linear.scatter [tilespmem:s17], [sflag:$0x1], $0x80, $0x38;
	[tilespmem:$0x10080] =	vst v63  }
0x60: {  	s17 =	sshll.u32 s19, $0xA;
	s18 =	sadd.s32 s13, s6;
	s13 =	sand.u32 $0x380, s15  }
0x61: {  	[hbm4b:s12+s2] =	stream.linear.scatter [tilespmem:s16], [sflag:$0x1], $0x80, $0x38;
	[tilespmem:$0x10080] =	vst v63  }
0x62: {  	s12 =	sadd.s32 s17, s18;
	s16 =	sadd.s32 $0x8480, s20;
	s17 =	sadd.s32 $0x8C80, s20  }
0x63: {  	[hbm4b:s12+s2] =	stream.linear.scatter [tilespmem:s16], [sflag:$0x1], $0x80, $0x38;
	[tilespmem:$0x10080] =	vst v63  }
0x64: {  	p0 =	sne.s32 s14, $0x1FF;
	s14 =	sadd.s32 $0x1, s14;
	s16 =	sadd.s32 $0x10, s12  }
0x65: {  	[hbm4b:s16+s2] =	stream.linear.scatter [tilespmem:s17], [sflag:$0x1], $0x80, $0x38;
	[tilespmem:$0x10080] =	vst v63  }
0x66: {  	s18 =	sadd.s32 $0x9C80, s20;
	s16 =	sadd.s32 $0x9480, s20;
	s17 =	sadd.s32 $0x20, s12  }
0x67: {  	[hbm4b:s17+s2] =	stream.linear.scatter [tilespmem:s16], [sflag:$0x1], $0x80, $0x38;
	[tilespmem:$0x10080] =	vst v63  }
0x68: {  	s15 =	sadd.s32 $0x80, s15;
	s16 =	sadd.s32 $0x30, s12;
	s17 =	sadd.s32 $0xA480, s20  }
0x69: {  	[hbm4b:s16+s2] =	stream.linear.scatter [tilespmem:s18], [sflag:$0x1], $0x80, $0x38;
	[tilespmem:$0x10080] =	vst v63  }
.Ltmp1:
0x6a: {  	s16 =	sadd.s32 $0x40, s12;
	s18 =	sadd.s32 $0xAC80, s20;
	(pc) =	sbr.rel @p0 .LBB2_4-.Ltmp1, $4  }
0x6b: {  	[hbm4b:s16+s2] =	stream.linear.scatter [tilespmem:s17], [sflag:$0x1], $0x80, $0x38;
	[tilespmem:$0x10080] =	vst v63  }
0x6c: {  	s19 =	sadd.s32 $0x50, s12;
	s17 =	sadd.s32 $0xB480, s20;
	s16 =	sadd.s32 $0xBC80, s20  }
0x6d: {  	[hbm4b:s19+s2] =	stream.linear.scatter [tilespmem:s18], [sflag:$0x1], $0x80, $0x38;
	[tilespmem:$0x10080] =	vst v63  }
0x6e: {  	s20 =	sshrl.u32 s23, $0x4;
	s19 =	sand.u32 $0x8, s23;
	s18 =	sadd.s32 $0x60, s12  }
0x6f: {  	s14 =	sshll.u32 s20, $0x2;
	s15 =	sshll.u32 s20, $0x5  }
0x70: {  	[hbm4b:s18+s2] =	stream.linear.scatter [tilespmem:s17], [sflag:$0x1], $0x80, $0x38;
	[tilespmem:$0x10080] =	vst v63  }
0x71: {  	s29 =	sshll.u32 s19, $0xB;
	s30 =	sshrl.u32 s19, $0x3;
	s14 =	sor.u32 s4, s14  }
0x72: {  	s12 =	sadd.s32 $0x70, s12;
	s15 =	ssub.s32 s13, s15;
	s14 =	sor.u32 s30, s14  }
0x73: {  	[hbm4b:s12+s2] =	stream.linear.scatter [tilespmem:s16], [sflag:$0x1], $0x80, $0x38;
	[tilespmem:$0x10080] =	vst v63  }
0x74: {  	s31 =	sadd.s32 s13, s6;
	s15 =	sadd.s32 s15, s29;
	s14 =	sshll.u32 s14, $0xA  }
0x75: {  	s18 =	sadd.s32 $0x8480, s15;
	s17 =	sadd.s32 s14, s31  }
0x76: {  	[hbm4b:s17+s2] =	stream.linear.scatter [tilespmem:s18], [sflag:$0x1], $0x80, $0x38;
	[tilespmem:$0x10080] =	vst v63  }
0x77: {  	s19 =	sadd.s32 $0x8C80, s15;
	s14 =	sadd.s32 $0x10, s17  }
0x78: {  	[hbm4b:s14+s2] =	stream.linear.scatter [tilespmem:s19], [sflag:$0x1], $0x80, $0x38;
	[tilespmem:$0x10080] =	vst v63  }
0x79: {  	s20 =	sadd.s32 $0x9480, s15;
	s21 =	sadd.s32 $0x20, s17  }
0x7a: {  	[hbm4b:s21+s2] =	stream.linear.scatter [tilespmem:s20], [sflag:$0x1], $0x80, $0x38;
	[tilespmem:$0x10080] =	vst v63  }
0x7b: {  	s22 =	sadd.s32 $0x9C80, s15;
	s23 =	sadd.s32 $0x30, s17  }
0x7c: {  	[hbm4b:s23+s2] =	stream.linear.scatter [tilespmem:s22], [sflag:$0x1], $0x80, $0x38;
	[tilespmem:$0x10080] =	vst v63  }
0x7d: {  	s24 =	sadd.s32 $0xA480, s15;
	s25 =	sadd.s32 $0x40, s17  }
0x7e: {  	[hbm4b:s25+s2] =	stream.linear.scatter [tilespmem:s24], [sflag:$0x1], $0x80, $0x38;
	[tilespmem:$0x10080] =	vst v63  }
0x7f: {  	s26 =	sadd.s32 $0xAC80, s15;
	s28 =	sadd.s32 $0x50, s17  }
0x80: {  	[hbm4b:s28+s2] =	stream.linear.scatter [tilespmem:s26], [sflag:$0x1], $0x80, $0x38;
	[tilespmem:$0x10080] =	vst v63  }
0x81: {  	s29 =	sadd.s32 $0xB480, s15;
	s30 =	sadd.s32 $0x60, s17  }
0x82: {  	[hbm4b:s30+s2] =	stream.linear.scatter [tilespmem:s29], [sflag:$0x1], $0x80, $0x38;
	[tilespmem:$0x10080] =	vst v63  }
0x83: {  	s31 =	sadd.s32 $0xBC80, s15;
	s12 =	sadd.s32 $0x70, s17  }
0x84: {  	[hbm4b:s12+s2] =	stream.linear.scatter [tilespmem:s31], [sflag:$0x1], $0x80, $0x38;
	[tilespmem:$0x10080] =	vst v63  }
0x85: {  	_ =	swait.ge [sflag:s10], $0x400  }
0x86: {  	s12 =	simm.s32 $0x1FF;
	[sflag:s10] =	ssyncset.done $0x0  }
.LBB2_6:
0x87: {  	p0 =	sne.s32 s12, $0x1;
	s12 =	sadd.s32 $0xFFFFFFFF, s12;
	[sflag:s10] =	ssyncadd.s32 $0xFFFFFC00  }
.Ltmp2:
0x88: {  	(pc) =	sbr.rel @p0 .LBB2_6-.Ltmp2, $3  }
0x89: {  	_ =	sdelay $0x1  }
0x8a: {  	_ =	swait.ge [sflag:s10], $0x400  }
0x8b: {  	[sflag:s10] =	ssyncset.done $0x0  }
0x8c: {  	s11 =	sadd.s32 $0x1, s11  }
0x8d: {  	p0 =	sne.s32 s11, s7  }
.Ltmp3:
0x8e: {  	_ = 	snop;
	(pc) =	sbr.rel @p0 .LBB2_1-.Ltmp3, $2  }
0x8f: {  	_ =	sdelay $0x2  }
0x90: {  	[sflag:s10] =	ssyncadd.s32 $0xFFFFFC00  }
0x91: {  	_ =	sfence.sel $0x180000  }
0x92: {  	[bflag:$0x0] =	sbarrier.arrive $0xFFFF  }
0x93: {  	p0 =	sne.s32 s1, $0x0;
	_ =	strace $0x90000047  }
0x94: {  	s0 =	sadd.s32 @!p0 $0x100000, s0;
	[bflag:$0x2] =	sbarrier.arrive $0xFFFF  }
0x95: {  	[sflag:s0] =	ssyncadd.tile.s32 @!p0 $0x1;
	_ =	shalt  }
.Lfunc_end2:
_tile_overlayer_lowered:
.L_overlay_start_2:
0x96: {  	(tag) =	ssettag $0x2  }
0x97: {  	s0 =	rddreg [dreg:$0x0];
	s2 =	stileid.u32  }
0x98: {  	s1 =	rddreg [dreg:$0x1];
	p0 =	sne.s32 s2, $0x0  }
0x99: {  	s3 =	rddreg [dreg:$0x2];
	[bflag:$0x3] =	sbarrier.arrive $0xFFFF;
	s2 =	simm.s32 @!p0 $0x1C02  }
0x9a: {  	[timem:s3], [sflag:s2] =	dma.local @!p0 [hbm:s0], s1  }
0x9b: {  	s0 =	simm.s32 @!p0 $0x2  }
0x9c: {  	_ =	swait.ge @!p0 [sflag:s0], s1  }
0x9d: {  	s1 =	ssub.s32 @!p0 $0x0, s1;
	[sflag:s0] =	ssyncset.done @!p0 $0x0  }
0x9e: {  	[sflag:s0] =	ssyncadd.s32 @!p0 s1  }
0x9f: {  	[bflag:$0x3] =	sbarrier.arrive $0xFFFF  }
0xa0: {  	_ =	shalt  }

</sc_bundles>
